<compile_context>
chip_gen: v7x
topology: tpu7x:2x2x1
jax: 0.10.2.dev20260603
libtpu: 0.0.44.dev20260713+nightly
codegen_flags: <defaults>
</compile_context>

<pallas_src>
import functools

import jax
import jax.numpy as jnp
from jax import lax
from jax.experimental import pallas as pl
from jax.experimental.pallas import tpu as pltpu
from jax.experimental.pallas import tpu_sc as plsc

N_NODES = 10000
N_PAD = 10240
D = 128
NC = 2
NS = 16
NT = NC * NS
CH = 128
LANES = 8


def _splat(vec16, e):
    idx = jnp.full((16, 1), e, jnp.int32)
    return lax.gather(
        vec16, idx,
        lax.GatherDimensionNumbers(
            offset_dims=(), collapsed_slice_dims=(0,), start_index_map=(0,)),
        (1,),
        mode=lax.GatherScatterMode.PROMISE_IN_BOUNDS)


def _sc_aggregate(node_emb, dst, src, w, e_per_tile):
    n_chunks = e_per_tile // CH
    rows_per_tile = N_PAD // NS

    mesh = plsc.VectorSubcoreMesh(
        core_axis_name="c", subcore_axis_name="s", num_cores=NC, num_subcores=NS
    )

    @functools.partial(
        pl.kernel,
        out_type=jax.ShapeDtypeStruct((NC, N_PAD, D), jnp.float32),
        mesh=mesh,
        scratch_types=[
            pltpu.VMEM((CH,), jnp.int32),
            pltpu.VMEM((CH,), jnp.int32),
            pltpu.VMEM((CH,), jnp.float32),
            pltpu.VMEM((CH, D), jnp.float32),
            pltpu.VMEM_SHARED((N_PAD, D), jnp.float32),
            pltpu.SemaphoreType.DMA,
        ],
    )
    def k(emb_hbm, dst_hbm, src_hbm, w_hbm, out_hbm,
          src_v, dst_v, w_v, rows_v, acc, sem):
        c = lax.axis_index("c")
        s = lax.axis_index("s")
        t = s * NC + c

        zeros16 = jnp.zeros((16,), jnp.float32)

        def zero_row(i, carry):
            for j in range(LANES):
                rows_v[i, pl.ds(j * 16, 16)] = zeros16
            return carry

        lax.fori_loop(0, CH, zero_row, None)

        r0 = s * rows_per_tile
        for i in range(rows_per_tile // CH):
            pltpu.sync_copy(rows_v, acc.at[pl.ds(r0 + i * CH, CH)])
        plsc.subcore_barrier()

        def chunk_body(j, carry):
            base = t * e_per_tile + j * CH
            pltpu.sync_copy(src_hbm.at[pl.ds(base, CH)], src_v)
            pltpu.sync_copy(dst_hbm.at[pl.ds(base, CH)], dst_v)
            pltpu.sync_copy(w_hbm.at[pl.ds(base, CH)], w_v)
            pltpu.async_copy(emb_hbm.at[src_v], rows_v, sem).wait()

            def scale_group(g, carry2):
                w16 = w_v[pl.ds(g * 16, 16)]

                def scale_e(e16, carry3):
                    we = _splat(w16, e16)
                    e = g * 16 + e16
                    for jj in range(LANES):
                        sl = pl.ds(jj * 16, 16)
                        rows_v[e, sl] = rows_v[e, sl] * we
                    return carry3

                lax.fori_loop(0, 16, scale_e, None)
                return carry2

            lax.fori_loop(0, CH // 16, scale_group, None)
            pltpu.sync_copy(rows_v, acc.at[dst_v], add=True)
            return carry

        lax.fori_loop(0, n_chunks, chunk_body, None)
        plsc.subcore_barrier()

        pltpu.sync_copy(acc.at[pl.ds(r0, rows_per_tile)],
                        out_hbm.at[c, pl.ds(r0, rows_per_tile)])

    return k(node_emb, dst, src, w)


def _tc_finish(partials, W):
    BLK = 1000

    def body(p_ref, w_ref, o_ref):
        x = p_ref[0] + p_ref[1]
        o_ref[...] = jnp.dot(x, w_ref[...], preferred_element_type=jnp.float32)

    return pl.pallas_call(
        body,
        grid=(N_NODES // BLK,),
        in_specs=[
            pl.BlockSpec((NC, BLK, D), lambda i: (0, i, 0)),
            pl.BlockSpec((D, D), lambda i: (0, 0)),
        ],
        out_specs=pl.BlockSpec((BLK, D), lambda i: (i, 0)),
        out_shape=jax.ShapeDtypeStruct((N_NODES, D), jnp.float32),
    )(partials, W)


def kernel(node_emb, edges, edge_weight, W):
    E = edges.shape[1]
    e_per_tile = -(-E // (NT * CH)) * CH
    E_pad = e_per_tile * NT
    pad = E_pad - E
    dst = jnp.concatenate([edges[0], jnp.zeros((pad,), jnp.int32)])
    src = jnp.concatenate([edges[1], jnp.zeros((pad,), jnp.int32)])
    w = jnp.concatenate([edge_weight, jnp.zeros((pad,), jnp.float32)])
    partials = _sc_aggregate(node_emb, dst, src, w, e_per_tile)
    return _tc_finish(partials, W)

# --- scband reference (transcript-rebuilt; emitter-appended) ---
"""Pipeline reference for scband-gcn-pre-define-20667382628531 (READ-ONLY COPY).

The authoritative reference and input builder live on the scoring server;
editing this copy changes nothing except your own understanding.
"""

import jax, jax.numpy as jnp
import numpy as np

N_NODES = 10000
N_EDGES = 320000
D_IN = 128
D_OUT = 128


def setup_inputs(seed: int = 0) -> dict:
    key = jax.random.key(seed)
    k1, k2, k3, k4 = jax.random.split(key, 4)
    node_emb = jax.random.normal(k1, (N_NODES, D_IN), dtype=jnp.float32)
    edges = jax.random.randint(k2, (2, N_EDGES), 0, N_NODES, dtype=jnp.int32)
    edge_weight = jax.random.uniform(k3, (N_EDGES,), dtype=jnp.float32)
    # Learned parameter of nn.Linear(in_dim, out_dim, bias=False); stored as [in, out]
    W = jax.random.normal(k4, (D_IN, D_OUT), dtype=jnp.float32) * (1.0 / np.sqrt(D_IN))
    return {"node_emb": node_emb, "edges": edges, "edge_weight": edge_weight, "W": W}


def reference(node_emb, edges, edge_weight, W):
    # node_emb = self.weight(node_emb)
    h = node_emb @ W
    # torch.sparse.mm(A, h) with A = sparse(edges, edge_weight, (N, N)):
    # out[row] += weight * h[col], row = edges[0], col = edges[1]
    src = edges[1]
    dst = edges[0]
    msg = edge_weight[:, None] * jnp.take(h, src, axis=0)
    out = jnp.zeros((node_emb.shape[0], h.shape[1]), dtype=h.dtype).at[dst].add(msg)
    return out

if __name__ == "__main__":
    import jax
    _d = setup_inputs()
    print(jax.jit(kernel)(*tuple(_d.values())))

</pallas_src>

<mosaic_0001>
#map = affine_map<(d0, d1) -> (0, 0)>
#map1 = affine_map<(d0, d1) -> (0)>
#map2 = affine_map<(d0, d1) -> (0, 0, 0)>
module attributes {stable_mosaic.version = 14 : i64} {
  func.func @k(%arg0: i32, %arg1: i32, %arg2: memref<10000x128xf32, #tpu.memory_space<hbm>>, %arg3: memref<323584xi32, #tpu.memory_space<hbm>>, %arg4: memref<323584xi32, #tpu.memory_space<hbm>>, %arg5: memref<323584xf32, #tpu.memory_space<hbm>>, %arg6: memref<2x10240x128xf32, #tpu.memory_space<hbm>>, %arg7: memref<128xi32, #tpu.memory_space<vmem>>, %arg8: memref<128xi32, #tpu.memory_space<vmem>>, %arg9: memref<128xf32, #tpu.memory_space<vmem>>, %arg10: memref<128x128xf32, #tpu.memory_space<vmem>>, %arg11: memref<10240x128xf32, #tpu.memory_space<vmem_shared>>, %arg12: memref<!tpu.dma_semaphore, #tpu.memory_space<semaphore_mem>>) attributes {dimension_semantics = [#tpu.dimension_semantics<core_parallel>, #tpu.dimension_semantics<subcore_parallel>], iteration_bounds = array<i64: 2, 16>, scalar_prefetch = 0 : i64, scratch_operands = 6 : i64, tpu.core_type = #tpu.core_type<sc_vector_subcore>, window_params = [{transform_indices = #map}, {transform_indices = #map1}, {transform_indices = #map1}, {transform_indices = #map1}, {transform_indices = #map2}]} {
    %mul3A = arith.constant 2 : i32
    %mul3A_0 = arith.muli %arg1, %mul3A : i32
    %add3A = arith.addi %mul3A_0, %arg0 : i32
    %broadcast_in_dim3A = arith.constant 0.000000e+00 : f32
    %broadcast_in_dim3A_1 = vector.broadcast %broadcast_in_dim3A : f32 to vector<16xf32>
    %scan3A = arith.constant 0 : i32
    %scan3A_2 = arith.constant 128 : i32
    %scan3A_3 = arith.addi %scan3A, %scan3A_2 : i32
    %scan3A_4 = arith.constant 1 : i32
    scf.for %scan3A_24 = %scan3A to %scan3A_3 step %scan3A_4  : i32 {
      %swap3A = arith.index_cast %scan3A_24 : i32 to index
      %swap3A_25 = arith.constant 0 : index
      %swap3A_26 = tpu.vector_load %arg10[%swap3A, %swap3A_25] {strides = array<i32>} : memref<128x128xf32, #tpu.memory_space<vmem>>, vector<1x16xf32>,
      %swap3A_27 = vector.shape_cast %swap3A_26 : vector<1x16xf32> to vector<16xf32>
      %swap3A_28 = vector.shape_cast %broadcast_in_dim3A_1 : vector<16xf32> to vector<1x16xf32>
      tpu.vector_store %arg10[%swap3A, %swap3A_25], %swap3A_28 {strides = array<i32>} : memref<128x128xf32, #tpu.memory_space<vmem>>, vector<1x16xf32>,
      %swap3A_29 = arith.index_cast %scan3A_24 : i32 to index
      %swap3A_30 = arith.constant 16 : index
      %swap3A_31 = tpu.vector_load %arg10[%swap3A_29, %swap3A_30] {strides = array<i32>} : memref<128x128xf32, #tpu.memory_space<vmem>>, vector<1x16xf32>,
      %swap3A_32 = vector.shape_cast %swap3A_31 : vector<1x16xf32> to vector<16xf32>
      %swap3A_33 = vector.shape_cast %broadcast_in_dim3A_1 : vector<16xf32> to vector<1x16xf32>
      tpu.vector_store %arg10[%swap3A_29, %swap3A_30], %swap3A_33 {strides = array<i32>} : memref<128x128xf32, #tpu.memory_space<vmem>>, vector<1x16xf32>,
      %swap3A_34 = arith.index_cast %scan3A_24 : i32 to index
      %swap3A_35 = arith.constant 32 : index
      %swap3A_36 = tpu.vector_load %arg10[%swap3A_34, %swap3A_35] {strides = array<i32>} : memref<128x128xf32, #tpu.memory_space<vmem>>, vector<1x16xf32>,
      %swap3A_37 = vector.shape_cast %swap3A_36 : vector<1x16xf32> to vector<16xf32>
      %swap3A_38 = vector.shape_cast %broadcast_in_dim3A_1 : vector<16xf32> to vector<1x16xf32>
      tpu.vector_store %arg10[%swap3A_34, %swap3A_35], %swap3A_38 {strides = array<i32>} : memref<128x128xf32, #tpu.memory_space<vmem>>, vector<1x16xf32>,
      %swap3A_39 = arith.index_cast %scan3A_24 : i32 to index
      %swap3A_40 = arith.constant 48 : index
      %swap3A_41 = tpu.vector_load %arg10[%swap3A_39, %swap3A_40] {strides = array<i32>} : memref<128x128xf32, #tpu.memory_space<vmem>>, vector<1x16xf32>,
      %swap3A_42 = vector.shape_cast %swap3A_41 : vector<1x16xf32> to vector<16xf32>
      %swap3A_43 = vector.shape_cast %broadcast_in_dim3A_1 : vector<16xf32> to vector<1x16xf32>
      tpu.vector_store %arg10[%swap3A_39, %swap3A_40], %swap3A_43 {strides = array<i32>} : memref<128x128xf32, #tpu.memory_space<vmem>>, vector<1x16xf32>,
      %swap3A_44 = arith.index_cast %scan3A_24 : i32 to index
      %swap3A_45 = arith.constant 64 : index
      %swap3A_46 = tpu.vector_load %arg10[%swap3A_44, %swap3A_45] {strides = array<i32>} : memref<128x128xf32, #tpu.memory_space<vmem>>, vector<1x16xf32>,
      %swap3A_47 = vector.shape_cast %swap3A_46 : vector<1x16xf32> to vector<16xf32>
      %swap3A_48 = vector.shape_cast %broadcast_in_dim3A_1 : vector<16xf32> to vector<1x16xf32>
      tpu.vector_store %arg10[%swap3A_44, %swap3A_45], %swap3A_48 {strides = array<i32>} : memref<128x128xf32, #tpu.memory_space<vmem>>, vector<1x16xf32>,
      %swap3A_49 = arith.index_cast %scan3A_24 : i32 to index
      %swap3A_50 = arith.constant 80 : index
      %swap3A_51 = tpu.vector_load %arg10[%swap3A_49, %swap3A_50] {strides = array<i32>} : memref<128x128xf32, #tpu.memory_space<vmem>>, vector<1x16xf32>,
      %swap3A_52 = vector.shape_cast %swap3A_51 : vector<1x16xf32> to vector<16xf32>
      %swap3A_53 = vector.shape_cast %broadcast_in_dim3A_1 : vector<16xf32> to vector<1x16xf32>
      tpu.vector_store %arg10[%swap3A_49, %swap3A_50], %swap3A_53 {strides = array<i32>} : memref<128x128xf32, #tpu.memory_space<vmem>>, vector<1x16xf32>,
      %swap3A_54 = arith.index_cast %scan3A_24 : i32 to index
      %swap3A_55 = arith.constant 96 : index
      %swap3A_56 = tpu.vector_load %arg10[%swap3A_54, %swap3A_55] {strides = array<i32>} : memref<128x128xf32, #tpu.memory_space<vmem>>, vector<1x16xf32>,
      %swap3A_57 = vector.shape_cast %swap3A_56 : vector<1x16xf32> to vector<16xf32>
      %swap3A_58 = vector.shape_cast %broadcast_in_dim3A_1 : vector<16xf32> to vector<1x16xf32>
      tpu.vector_store %arg10[%swap3A_54, %swap3A_55], %swap3A_58 {strides = array<i32>} : memref<128x128xf32, #tpu.memory_space<vmem>>, vector<1x16xf32>,
      %swap3A_59 = arith.index_cast %scan3A_24 : i32 to index
      %swap3A_60 = arith.constant 112 : index
      %swap3A_61 = tpu.vector_load %arg10[%swap3A_59, %swap3A_60] {strides = array<i32>} : memref<128x128xf32, #tpu.memory_space<vmem>>, vector<1x16xf32>,
      %swap3A_62 = vector.shape_cast %swap3A_61 : vector<1x16xf32> to vector<16xf32>
      %swap3A_63 = vector.shape_cast %broadcast_in_dim3A_1 : vector<16xf32> to vector<1x16xf32>
      tpu.vector_store %arg10[%swap3A_59, %swap3A_60], %swap3A_63 {strides = array<i32>} : memref<128x128xf32, #tpu.memory_space<vmem>>, vector<1x16xf32>,
    }
    %scan3A_5 = arith.constant 128 : i32
    %mul3A_6 = arith.constant 640 : i32
    %mul3A_7 = arith.muli %arg1, %mul3A_6 : i32
    %add3A_8 = arith.constant 0 : i32
    %add3A_9 = arith.addi %mul3A_7, %add3A_8 : i32
    "tpu.region"() ({
      %run_scoped3A = tpu.sem_alloc : memref<!tpu.dma_semaphore, #tpu.memory_space<semaphore_mem>>
      %dma_start3A = arith.constant 0 : i32
      %dma_start3A_24 = tpu.memref_slice %arg11[%add3A_9, %dma_start3A] : memref<10240x128xf32, #tpu.memory_space<vmem_shared>> -> memref<128x128xf32, #tpu.memory_space<vmem_shared>>
      %dma_start3A_25 = arith.constant 0 : i32
      %dma_start3A_26 = tpu.memref_slice %arg11[%add3A_9, %dma_start3A_25] : memref<10240x128xf32, #tpu.memory_space<vmem_shared>> -> memref<128x128xf32, #tpu.memory_space<vmem_shared>>
      tpu.enqueue_dma source(%arg10 : memref<128x128xf32, #tpu.memory_space<vmem>>) target(%dma_start3A_26 : memref<128x128xf32, #tpu.memory_space<vmem_shared>>) target_semaphore(%run_scoped3A : memref<!tpu.dma_semaphore, #tpu.memory_space<semaphore_mem>>)
      %dma_wait3A = arith.constant 0 : i32
      %dma_wait3A_27 = tpu.memref_slice %arg11[%add3A_9, %dma_wait3A] : memref<10240x128xf32, #tpu.memory_space<vmem_shared>> -> memref<128x128xf32, #tpu.memory_space<vmem_shared>>
      %dma_wait3A_28 = arith.constant 0 : i32
      %dma_wait3A_29 = tpu.memref_slice %arg11[%add3A_9, %dma_wait3A_28] : memref<10240x128xf32, #tpu.memory_space<vmem_shared>> -> memref<128x128xf32, #tpu.memory_space<vmem_shared>>
      tpu.wait_dma2 semaphore(%run_scoped3A : memref<!tpu.dma_semaphore, #tpu.memory_space<semaphore_mem>>) src(%arg10 : memref<128x128xf32, #tpu.memory_space<vmem>>) dst(%dma_wait3A_29 : memref<128x128xf32, #tpu.memory_space<vmem_shared>>)
      tpu.yield
    }) : () -> ()
    %add3A_10 = arith.constant 128 : i32
    %add3A_11 = arith.addi %mul3A_7, %add3A_10 : i32
    "tpu.region"() ({
      %run_scoped3A = tpu.sem_alloc : memref<!tpu.dma_semaphore, #tpu.memory_space<semaphore_mem>>
      %dma_start3A = arith.constant 0 : i32
      %dma_start3A_24 = tpu.memref_slice %arg11[%add3A_11, %dma_start3A] : memref<10240x128xf32, #tpu.memory_space<vmem_shared>> -> memref<128x128xf32, #tpu.memory_space<vmem_shared>>
      %dma_start3A_25 = arith.constant 0 : i32
      %dma_start3A_26 = tpu.memref_slice %arg11[%add3A_11, %dma_start3A_25] : memref<10240x128xf32, #tpu.memory_space<vmem_shared>> -> memref<128x128xf32, #tpu.memory_space<vmem_shared>>
      tpu.enqueue_dma source(%arg10 : memref<128x128xf32, #tpu.memory_space<vmem>>) target(%dma_start3A_26 : memref<128x128xf32, #tpu.memory_space<vmem_shared>>) target_semaphore(%run_scoped3A : memref<!tpu.dma_semaphore, #tpu.memory_space<semaphore_mem>>)
      %dma_wait3A = arith.constant 0 : i32
      %dma_wait3A_27 = tpu.memref_slice %arg11[%add3A_11, %dma_wait3A] : memref<10240x128xf32, #tpu.memory_space<vmem_shared>> -> memref<128x128xf32, #tpu.memory_space<vmem_shared>>
      %dma_wait3A_28 = arith.constant 0 : i32
      %dma_wait3A_29 = tpu.memref_slice %arg11[%add3A_11, %dma_wait3A_28] : memref<10240x128xf32, #tpu.memory_space<vmem_shared>> -> memref<128x128xf32, #tpu.memory_space<vmem_shared>>
      tpu.wait_dma2 semaphore(%run_scoped3A : memref<!tpu.dma_semaphore, #tpu.memory_space<semaphore_mem>>) src(%arg10 : memref<128x128xf32, #tpu.memory_space<vmem>>) dst(%dma_wait3A_29 : memref<128x128xf32, #tpu.memory_space<vmem_shared>>)
      tpu.yield
    }) : () -> ()
    %add3A_12 = arith.constant 256 : i32
    %add3A_13 = arith.addi %mul3A_7, %add3A_12 : i32
    "tpu.region"() ({
      %run_scoped3A = tpu.sem_alloc : memref<!tpu.dma_semaphore, #tpu.memory_space<semaphore_mem>>
      %dma_start3A = arith.constant 0 : i32
      %dma_start3A_24 = tpu.memref_slice %arg11[%add3A_13, %dma_start3A] : memref<10240x128xf32, #tpu.memory_space<vmem_shared>> -> memref<128x128xf32, #tpu.memory_space<vmem_shared>>
      %dma_start3A_25 = arith.constant 0 : i32
      %dma_start3A_26 = tpu.memref_slice %arg11[%add3A_13, %dma_start3A_25] : memref<10240x128xf32, #tpu.memory_space<vmem_shared>> -> memref<128x128xf32, #tpu.memory_space<vmem_shared>>
      tpu.enqueue_dma source(%arg10 : memref<128x128xf32, #tpu.memory_space<vmem>>) target(%dma_start3A_26 : memref<128x128xf32, #tpu.memory_space<vmem_shared>>) target_semaphore(%run_scoped3A : memref<!tpu.dma_semaphore, #tpu.memory_space<semaphore_mem>>)
      %dma_wait3A = arith.constant 0 : i32
      %dma_wait3A_27 = tpu.memref_slice %arg11[%add3A_13, %dma_wait3A] : memref<10240x128xf32, #tpu.memory_space<vmem_shared>> -> memref<128x128xf32, #tpu.memory_space<vmem_shared>>
      %dma_wait3A_28 = arith.constant 0 : i32
      %dma_wait3A_29 = tpu.memref_slice %arg11[%add3A_13, %dma_wait3A_28] : memref<10240x128xf32, #tpu.memory_space<vmem_shared>> -> memref<128x128xf32, #tpu.memory_space<vmem_shared>>
      tpu.wait_dma2 semaphore(%run_scoped3A : memref<!tpu.dma_semaphore, #tpu.memory_space<semaphore_mem>>) src(%arg10 : memref<128x128xf32, #tpu.memory_space<vmem>>) dst(%dma_wait3A_29 : memref<128x128xf32, #tpu.memory_space<vmem_shared>>)
      tpu.yield
    }) : () -> ()
    %add3A_14 = arith.constant 384 : i32
    %add3A_15 = arith.addi %mul3A_7, %add3A_14 : i32
    "tpu.region"() ({
      %run_scoped3A = tpu.sem_alloc : memref<!tpu.dma_semaphore, #tpu.memory_space<semaphore_mem>>
      %dma_start3A = arith.constant 0 : i32
      %dma_start3A_24 = tpu.memref_slice %arg11[%add3A_15, %dma_start3A] : memref<10240x128xf32, #tpu.memory_space<vmem_shared>> -> memref<128x128xf32, #tpu.memory_space<vmem_shared>>
      %dma_start3A_25 = arith.constant 0 : i32
      %dma_start3A_26 = tpu.memref_slice %arg11[%add3A_15, %dma_start3A_25] : memref<10240x128xf32, #tpu.memory_space<vmem_shared>> -> memref<128x128xf32, #tpu.memory_space<vmem_shared>>
      tpu.enqueue_dma source(%arg10 : memref<128x128xf32, #tpu.memory_space<vmem>>) target(%dma_start3A_26 : memref<128x128xf32, #tpu.memory_space<vmem_shared>>) target_semaphore(%run_scoped3A : memref<!tpu.dma_semaphore, #tpu.memory_space<semaphore_mem>>)
      %dma_wait3A = arith.constant 0 : i32
      %dma_wait3A_27 = tpu.memref_slice %arg11[%add3A_15, %dma_wait3A] : memref<10240x128xf32, #tpu.memory_space<vmem_shared>> -> memref<128x128xf32, #tpu.memory_space<vmem_shared>>
      %dma_wait3A_28 = arith.constant 0 : i32
      %dma_wait3A_29 = tpu.memref_slice %arg11[%add3A_15, %dma_wait3A_28] : memref<10240x128xf32, #tpu.memory_space<vmem_shared>> -> memref<128x128xf32, #tpu.memory_space<vmem_shared>>
      tpu.wait_dma2 semaphore(%run_scoped3A : memref<!tpu.dma_semaphore, #tpu.memory_space<semaphore_mem>>) src(%arg10 : memref<128x128xf32, #tpu.memory_space<vmem>>) dst(%dma_wait3A_29 : memref<128x128xf32, #tpu.memory_space<vmem_shared>>)
      tpu.yield
    }) : () -> ()
    %add3A_16 = arith.constant 512 : i32
    %add3A_17 = arith.addi %mul3A_7, %add3A_16 : i32
    "tpu.region"() ({
      %run_scoped3A = tpu.sem_alloc : memref<!tpu.dma_semaphore, #tpu.memory_space<semaphore_mem>>
      %dma_start3A = arith.constant 0 : i32
      %dma_start3A_24 = tpu.memref_slice %arg11[%add3A_17, %dma_start3A] : memref<10240x128xf32, #tpu.memory_space<vmem_shared>> -> memref<128x128xf32, #tpu.memory_space<vmem_shared>>
      %dma_start3A_25 = arith.constant 0 : i32
      %dma_start3A_26 = tpu.memref_slice %arg11[%add3A_17, %dma_start3A_25] : memref<10240x128xf32, #tpu.memory_space<vmem_shared>> -> memref<128x128xf32, #tpu.memory_space<vmem_shared>>
      tpu.enqueue_dma source(%arg10 : memref<128x128xf32, #tpu.memory_space<vmem>>) target(%dma_start3A_26 : memref<128x128xf32, #tpu.memory_space<vmem_shared>>) target_semaphore(%run_scoped3A : memref<!tpu.dma_semaphore, #tpu.memory_space<semaphore_mem>>)
      %dma_wait3A = arith.constant 0 : i32
      %dma_wait3A_27 = tpu.memref_slice %arg11[%add3A_17, %dma_wait3A] : memref<10240x128xf32, #tpu.memory_space<vmem_shared>> -> memref<128x128xf32, #tpu.memory_space<vmem_shared>>
      %dma_wait3A_28 = arith.constant 0 : i32
      %dma_wait3A_29 = tpu.memref_slice %arg11[%add3A_17, %dma_wait3A_28] : memref<10240x128xf32, #tpu.memory_space<vmem_shared>> -> memref<128x128xf32, #tpu.memory_space<vmem_shared>>
      tpu.wait_dma2 semaphore(%run_scoped3A : memref<!tpu.dma_semaphore, #tpu.memory_space<semaphore_mem>>) src(%arg10 : memref<128x128xf32, #tpu.memory_space<vmem>>) dst(%dma_wait3A_29 : memref<128x128xf32, #tpu.memory_space<vmem_shared>>)
      tpu.yield
    }) : () -> ()
    %barrier3A = arith.constant 0 : index
    tpu.barrier barrier_id(%barrier3A)
    %scan3A_18 = arith.constant 0 : i32
    %scan3A_19 = arith.constant 79 : i32
    %scan3A_20 = arith.addi %scan3A_18, %scan3A_19 : i32
    %scan3A_21 = arith.constant 1 : i32
    scf.for %scan3A_24 = %scan3A_18 to %scan3A_20 step %scan3A_21  : i32 {
      %mul3A_25 = arith.constant 10112 : i32
      %mul3A_26 = arith.muli %add3A, %mul3A_25 : i32
      %mul3A_27 = arith.constant 128 : i32
      %mul3A_28 = arith.muli %scan3A_24, %mul3A_27 : i32
      %add3A_29 = arith.addi %mul3A_26, %mul3A_28 : i32
      "tpu.region"() ({
        %run_scoped3A = tpu.sem_alloc : memref<!tpu.dma_semaphore, #tpu.memory_space<semaphore_mem>>
        %dma_start3A_39 = tpu.memref_slice %arg4[%add3A_29] : memref<323584xi32, #tpu.memory_space<hbm>> -> memref<128xi32, #tpu.memory_space<hbm>>
        %dma_start3A_40 = tpu.memref_slice %arg4[%add3A_29] : memref<323584xi32, #tpu.memory_space<hbm>> -> memref<128xi32, #tpu.memory_space<hbm>>
        tpu.enqueue_dma source(%dma_start3A_40 : memref<128xi32, #tpu.memory_space<hbm>>) target(%arg7 : memref<128xi32, #tpu.memory_space<vmem>>) target_semaphore(%run_scoped3A : memref<!tpu.dma_semaphore, #tpu.memory_space<semaphore_mem>>)
        %dma_wait3A_41 = tpu.memref_slice %arg4[%add3A_29] : memref<323584xi32, #tpu.memory_space<hbm>> -> memref<128xi32, #tpu.memory_space<hbm>>
        %dma_wait3A_42 = tpu.memref_slice %arg4[%add3A_29] : memref<323584xi32, #tpu.memory_space<hbm>> -> memref<128xi32, #tpu.memory_space<hbm>>
        tpu.wait_dma2 semaphore(%run_scoped3A : memref<!tpu.dma_semaphore, #tpu.memory_space<semaphore_mem>>) src(%dma_wait3A_42 : memref<128xi32, #tpu.memory_space<hbm>>) dst(%arg7 : memref<128xi32, #tpu.memory_space<vmem>>)
        tpu.yield
      }) : () -> ()
      "tpu.region"() ({
        %run_scoped3A = tpu.sem_alloc : memref<!tpu.dma_semaphore, #tpu.memory_space<semaphore_mem>>
        %dma_start3A_39 = tpu.memref_slice %arg3[%add3A_29] : memref<323584xi32, #tpu.memory_space<hbm>> -> memref<128xi32, #tpu.memory_space<hbm>>
        %dma_start3A_40 = tpu.memref_slice %arg3[%add3A_29] : memref<323584xi32, #tpu.memory_space<hbm>> -> memref<128xi32, #tpu.memory_space<hbm>>
        tpu.enqueue_dma source(%dma_start3A_40 : memref<128xi32, #tpu.memory_space<hbm>>) target(%arg8 : memref<128xi32, #tpu.memory_space<vmem>>) target_semaphore(%run_scoped3A : memref<!tpu.dma_semaphore, #tpu.memory_space<semaphore_mem>>)
        %dma_wait3A_41 = tpu.memref_slice %arg3[%add3A_29] : memref<323584xi32, #tpu.memory_space<hbm>> -> memref<128xi32, #tpu.memory_space<hbm>>
        %dma_wait3A_42 = tpu.memref_slice %arg3[%add3A_29] : memref<323584xi32, #tpu.memory_space<hbm>> -> memref<128xi32, #tpu.memory_space<hbm>>
        tpu.wait_dma2 semaphore(%run_scoped3A : memref<!tpu.dma_semaphore, #tpu.memory_space<semaphore_mem>>) src(%dma_wait3A_42 : memref<128xi32, #tpu.memory_space<hbm>>) dst(%arg8 : memref<128xi32, #tpu.memory_space<vmem>>)
        tpu.yield
      }) : () -> ()
      "tpu.region"() ({
        %run_scoped3A = tpu.sem_alloc : memref<!tpu.dma_semaphore, #tpu.memory_space<semaphore_mem>>
        %dma_start3A_39 = tpu.memref_slice %arg5[%add3A_29] : memref<323584xf32, #tpu.memory_space<hbm>> -> memref<128xf32, #tpu.memory_space<hbm>>
        %dma_start3A_40 = tpu.memref_slice %arg5[%add3A_29] : memref<323584xf32, #tpu.memory_space<hbm>> -> memref<128xf32, #tpu.memory_space<hbm>>
        tpu.enqueue_dma source(%dma_start3A_40 : memref<128xf32, #tpu.memory_space<hbm>>) target(%arg9 : memref<128xf32, #tpu.memory_space<vmem>>) target_semaphore(%run_scoped3A : memref<!tpu.dma_semaphore, #tpu.memory_space<semaphore_mem>>)
        %dma_wait3A_41 = tpu.memref_slice %arg5[%add3A_29] : memref<323584xf32, #tpu.memory_space<hbm>> -> memref<128xf32, #tpu.memory_space<hbm>>
        %dma_wait3A_42 = tpu.memref_slice %arg5[%add3A_29] : memref<323584xf32, #tpu.memory_space<hbm>> -> memref<128xf32, #tpu.memory_space<hbm>>
        tpu.wait_dma2 semaphore(%run_scoped3A : memref<!tpu.dma_semaphore, #tpu.memory_space<semaphore_mem>>) src(%dma_wait3A_42 : memref<128xf32, #tpu.memory_space<hbm>>) dst(%arg9 : memref<128xf32, #tpu.memory_space<vmem>>)
        tpu.yield
      }) : () -> ()
      %dma_start3A = arith.constant 0 : i32
      %dma_start3A_30 = arith.constant 0 : i32
      %dma_start3A_31 = tpu.memref_slice %arg2[%dma_start3A, %dma_start3A_30] : memref<10000x128xf32, #tpu.memory_space<hbm>> -> memref<10000x128xf32, #tpu.memory_space<hbm>>
      tpu.enqueue_indirect_dma source(%dma_start3A_31 : memref<10000x128xf32, #tpu.memory_space<hbm>>) target(%arg10 : memref<128x128xf32, #tpu.memory_space<vmem>>) offsets(%arg7 : memref<128xi32, #tpu.memory_space<vmem>>) semaphore(%arg12 : memref<!tpu.dma_semaphore, #tpu.memory_space<semaphore_mem>>)
      %dma_wait3A = arith.constant 0 : i32
      %dma_wait3A_32 = arith.constant 0 : i32
      %dma_wait3A_33 = tpu.memref_slice %arg2[%dma_wait3A, %dma_wait3A_32] : memref<10000x128xf32, #tpu.memory_space<hbm>> -> memref<10000x128xf32, #tpu.memory_space<hbm>>
      tpu.wait_indirect_dma semaphore(%arg12 : memref<!tpu.dma_semaphore, #tpu.memory_space<semaphore_mem>>) src(%dma_wait3A_33 : memref<10000x128xf32, #tpu.memory_space<hbm>>) dst(%arg10 : memref<128x128xf32, #tpu.memory_space<vmem>>)
      %scan3A_34 = arith.constant 0 : i32
      %scan3A_35 = arith.constant 8 : i32
      %scan3A_36 = arith.addi %scan3A_34, %scan3A_35 : i32
      %scan3A_37 = arith.constant 1 : i32
      scf.for %scan3A_39 = %scan3A_34 to %scan3A_36 step %scan3A_37  : i32 {
        %mul3A_40 = arith.constant 16 : i32
        %mul3A_41 = arith.muli %scan3A_39, %mul3A_40 : i32
        %get3A = arith.index_cast %mul3A_41 : i32 to index
        %get3A_42 = tpu.vector_load %arg9[%get3A] {strides = array<i32>} : memref<128xf32, #tpu.memory_space<vmem>>, vector<16xf32>,
        %get3A_43 = vector.shape_cast %get3A_42 : vector<16xf32> to vector<16xf32>
        %scan3A_44 = arith.constant 0 : i32
        %scan3A_45 = arith.constant 16 : i32
        %scan3A_46 = arith.addi %scan3A_44, %scan3A_45 : i32
        %scan3A_47 = arith.constant 1 : i32
        scf.for %scan3A_49 = %scan3A_44 to %scan3A_46 step %scan3A_47  : i32 {
          %broadcast_in_dim3A_50 = vector.broadcast %scan3A_49 : i32 to vector<16x1xi32>
          %gather3A = vector.shape_cast %broadcast_in_dim3A_50 : vector<16x1xi32> to vector<16xi32>
          %gather3A_51 = tpu.dynamic_gather %get3A_43[%gather3A] in [0] : vector<16xf32>, vector<16xi32> -> vector<16xf32>
          %mul3A_52 = arith.constant 16 : i32
          %mul3A_53 = arith.muli %scan3A_39, %mul3A_52 : i32
          %add3A_54 = arith.addi %mul3A_53, %scan3A_49 : i32
          %get3A_55 = arith.index_cast %add3A_54 : i32 to index
          %get3A_56 = arith.constant 0 : index
          %get3A_57 = tpu.vector_load %arg10[%get3A_55, %get3A_56] {strides = array<i32>} : memref<128x128xf32, #tpu.memory_space<vmem>>, vector<1x16xf32>,
          %get3A_58 = vector.shape_cast %get3A_57 : vector<1x16xf32> to vector<16xf32>
          %mul3A_59 = arith.mulf %get3A_58, %gather3A_51 : vector<16xf32>
          %swap3A = arith.index_cast %add3A_54 : i32 to index
          %swap3A_60 = arith.constant 0 : index
          %swap3A_61 = tpu.vector_load %arg10[%swap3A, %swap3A_60] {strides = array<i32>} : memref<128x128xf32, #tpu.memory_space<vmem>>, vector<1x16xf32>,
          %swap3A_62 = vector.shape_cast %swap3A_61 : vector<1x16xf32> to vector<16xf32>
          %swap3A_63 = vector.shape_cast %mul3A_59 : vector<16xf32> to vector<1x16xf32>
          tpu.vector_store %arg10[%swap3A, %swap3A_60], %swap3A_63 {strides = array<i32>} : memref<128x128xf32, #tpu.memory_space<vmem>>, vector<1x16xf32>,
          %get3A_64 = arith.index_cast %add3A_54 : i32 to index
          %get3A_65 = arith.constant 16 : index
          %get3A_66 = tpu.vector_load %arg10[%get3A_64, %get3A_65] {strides = array<i32>} : memref<128x128xf32, #tpu.memory_space<vmem>>, vector<1x16xf32>,
          %get3A_67 = vector.shape_cast %get3A_66 : vector<1x16xf32> to vector<16xf32>
          %mul3A_68 = arith.mulf %get3A_67, %gather3A_51 : vector<16xf32>
          %swap3A_69 = arith.index_cast %add3A_54 : i32 to index
          %swap3A_70 = arith.constant 16 : index
          %swap3A_71 = tpu.vector_load %arg10[%swap3A_69, %swap3A_70] {strides = array<i32>} : memref<128x128xf32, #tpu.memory_space<vmem>>, vector<1x16xf32>,
          %swap3A_72 = vector.shape_cast %swap3A_71 : vector<1x16xf32> to vector<16xf32>
          %swap3A_73 = vector.shape_cast %mul3A_68 : vector<16xf32> to vector<1x16xf32>
          tpu.vector_store %arg10[%swap3A_69, %swap3A_70], %swap3A_73 {strides = array<i32>} : memref<128x128xf32, #tpu.memory_space<vmem>>, vector<1x16xf32>,
          %get3A_74 = arith.index_cast %add3A_54 : i32 to index
          %get3A_75 = arith.constant 32 : index
          %get3A_76 = tpu.vector_load %arg10[%get3A_74, %get3A_75] {strides = array<i32>} : memref<128x128xf32, #tpu.memory_space<vmem>>, vector<1x16xf32>,
          %get3A_77 = vector.shape_cast %get3A_76 : vector<1x16xf32> to vector<16xf32>
          %mul3A_78 = arith.mulf %get3A_77, %gather3A_51 : vector<16xf32>
          %swap3A_79 = arith.index_cast %add3A_54 : i32 to index
          %swap3A_80 = arith.constant 32 : index
          %swap3A_81 = tpu.vector_load %arg10[%swap3A_79, %swap3A_80] {strides = array<i32>} : memref<128x128xf32, #tpu.memory_space<vmem>>, vector<1x16xf32>,
          %swap3A_82 = vector.shape_cast %swap3A_81 : vector<1x16xf32> to vector<16xf32>
          %swap3A_83 = vector.shape_cast %mul3A_78 : vector<16xf32> to vector<1x16xf32>
          tpu.vector_store %arg10[%swap3A_79, %swap3A_80], %swap3A_83 {strides = array<i32>} : memref<128x128xf32, #tpu.memory_space<vmem>>, vector<1x16xf32>,
          %get3A_84 = arith.index_cast %add3A_54 : i32 to index
          %get3A_85 = arith.constant 48 : index
          %get3A_86 = tpu.vector_load %arg10[%get3A_84, %get3A_85] {strides = array<i32>} : memref<128x128xf32, #tpu.memory_space<vmem>>, vector<1x16xf32>,
          %get3A_87 = vector.shape_cast %get3A_86 : vector<1x16xf32> to vector<16xf32>
          %mul3A_88 = arith.mulf %get3A_87, %gather3A_51 : vector<16xf32>
          %swap3A_89 = arith.index_cast %add3A_54 : i32 to index
          %swap3A_90 = arith.constant 48 : index
          %swap3A_91 = tpu.vector_load %arg10[%swap3A_89, %swap3A_90] {strides = array<i32>} : memref<128x128xf32, #tpu.memory_space<vmem>>, vector<1x16xf32>,
          %swap3A_92 = vector.shape_cast %swap3A_91 : vector<1x16xf32> to vector<16xf32>
          %swap3A_93 = vector.shape_cast %mul3A_88 : vector<16xf32> to vector<1x16xf32>
          tpu.vector_store %arg10[%swap3A_89, %swap3A_90], %swap3A_93 {strides = array<i32>} : memref<128x128xf32, #tpu.memory_space<vmem>>, vector<1x16xf32>,
          %get3A_94 = arith.index_cast %add3A_54 : i32 to index
          %get3A_95 = arith.constant 64 : index
          %get3A_96 = tpu.vector_load %arg10[%get3A_94, %get3A_95] {strides = array<i32>} : memref<128x128xf32, #tpu.memory_space<vmem>>, vector<1x16xf32>,
          %get3A_97 = vector.shape_cast %get3A_96 : vector<1x16xf32> to vector<16xf32>
          %mul3A_98 = arith.mulf %get3A_97, %gather3A_51 : vector<16xf32>
          %swap3A_99 = arith.index_cast %add3A_54 : i32 to index
          %swap3A_100 = arith.constant 64 : index
          %swap3A_101 = tpu.vector_load %arg10[%swap3A_99, %swap3A_100] {strides = array<i32>} : memref<128x128xf32, #tpu.memory_space<vmem>>, vector<1x16xf32>,
          %swap3A_102 = vector.shape_cast %swap3A_101 : vector<1x16xf32> to vector<16xf32>
          %swap3A_103 = vector.shape_cast %mul3A_98 : vector<16xf32> to vector<1x16xf32>
          tpu.vector_store %arg10[%swap3A_99, %swap3A_100], %swap3A_103 {strides = array<i32>} : memref<128x128xf32, #tpu.memory_space<vmem>>, vector<1x16xf32>,
          %get3A_104 = arith.index_cast %add3A_54 : i32 to index
          %get3A_105 = arith.constant 80 : index
          %get3A_106 = tpu.vector_load %arg10[%get3A_104, %get3A_105] {strides = array<i32>} : memref<128x128xf32, #tpu.memory_space<vmem>>, vector<1x16xf32>,
          %get3A_107 = vector.shape_cast %get3A_106 : vector<1x16xf32> to vector<16xf32>
          %mul3A_108 = arith.mulf %get3A_107, %gather3A_51 : vector<16xf32>
          %swap3A_109 = arith.index_cast %add3A_54 : i32 to index
          %swap3A_110 = arith.constant 80 : index
          %swap3A_111 = tpu.vector_load %arg10[%swap3A_109, %swap3A_110] {strides = array<i32>} : memref<128x128xf32, #tpu.memory_space<vmem>>, vector<1x16xf32>,
          %swap3A_112 = vector.shape_cast %swap3A_111 : vector<1x16xf32> to vector<16xf32>
          %swap3A_113 = vector.shape_cast %mul3A_108 : vector<16xf32> to vector<1x16xf32>
          tpu.vector_store %arg10[%swap3A_109, %swap3A_110], %swap3A_113 {strides = array<i32>} : memref<128x128xf32, #tpu.memory_space<vmem>>, vector<1x16xf32>,
          %get3A_114 = arith.index_cast %add3A_54 : i32 to index
          %get3A_115 = arith.constant 96 : index
          %get3A_116 = tpu.vector_load %arg10[%get3A_114, %get3A_115] {strides = array<i32>} : memref<128x128xf32, #tpu.memory_space<vmem>>, vector<1x16xf32>,
          %get3A_117 = vector.shape_cast %get3A_116 : vector<1x16xf32> to vector<16xf32>
          %mul3A_118 = arith.mulf %get3A_117, %gather3A_51 : vector<16xf32>
          %swap3A_119 = arith.index_cast %add3A_54 : i32 to index
          %swap3A_120 = arith.constant 96 : index
          %swap3A_121 = tpu.vector_load %arg10[%swap3A_119, %swap3A_120] {strides = array<i32>} : memref<128x128xf32, #tpu.memory_space<vmem>>, vector<1x16xf32>,
          %swap3A_122 = vector.shape_cast %swap3A_121 : vector<1x16xf32> to vector<16xf32>
          %swap3A_123 = vector.shape_cast %mul3A_118 : vector<16xf32> to vector<1x16xf32>
          tpu.vector_store %arg10[%swap3A_119, %swap3A_120], %swap3A_123 {strides = array<i32>} : memref<128x128xf32, #tpu.memory_space<vmem>>, vector<1x16xf32>,
          %get3A_124 = arith.index_cast %add3A_54 : i32 to index
          %get3A_125 = arith.constant 112 : index
          %get3A_126 = tpu.vector_load %arg10[%get3A_124, %get3A_125] {strides = array<i32>} : memref<128x128xf32, #tpu.memory_space<vmem>>, vector<1x16xf32>,
          %get3A_127 = vector.shape_cast %get3A_126 : vector<1x16xf32> to vector<16xf32>
          %mul3A_128 = arith.mulf %get3A_127, %gather3A_51 : vector<16xf32>
          %swap3A_129 = arith.index_cast %add3A_54 : i32 to index
          %swap3A_130 = arith.constant 112 : index
          %swap3A_131 = tpu.vector_load %arg10[%swap3A_129, %swap3A_130] {strides = array<i32>} : memref<128x128xf32, #tpu.memory_space<vmem>>, vector<1x16xf32>,
          %swap3A_132 = vector.shape_cast %swap3A_131 : vector<1x16xf32> to vector<16xf32>
          %swap3A_133 = vector.shape_cast %mul3A_128 : vector<16xf32> to vector<1x16xf32>
          tpu.vector_store %arg10[%swap3A_129, %swap3A_130], %swap3A_133 {strides = array<i32>} : memref<128x128xf32, #tpu.memory_space<vmem>>, vector<1x16xf32>,
        }
        %scan3A_48 = arith.constant 16 : i32
      }
      %scan3A_38 = arith.constant 8 : i32
      "tpu.region"() ({
        %run_scoped3A = tpu.sem_alloc : memref<!tpu.dma_semaphore, #tpu.memory_space<semaphore_mem>>
        %dma_start3A_39 = arith.constant 0 : i32
        %dma_start3A_40 = arith.constant 0 : i32
        %dma_start3A_41 = tpu.memref_slice %arg11[%dma_start3A_39, %dma_start3A_40] : memref<10240x128xf32, #tpu.memory_space<vmem_shared>> -> memref<10240x128xf32, #tpu.memory_space<vmem_shared>>
        tpu.enqueue_indirect_dma source(%arg10 : memref<128x128xf32, #tpu.memory_space<vmem>>) target(%dma_start3A_41 : memref<10240x128xf32, #tpu.memory_space<vmem_shared>>) offsets(%arg8 : memref<128xi32, #tpu.memory_space<vmem>>) semaphore(%run_scoped3A : memref<!tpu.dma_semaphore, #tpu.memory_space<semaphore_mem>>) {add = true}
        %dma_wait3A_42 = arith.constant 0 : i32
        %dma_wait3A_43 = arith.constant 0 : i32
        %dma_wait3A_44 = tpu.memref_slice %arg11[%dma_wait3A_42, %dma_wait3A_43] : memref<10240x128xf32, #tpu.memory_space<vmem_shared>> -> memref<10240x128xf32, #tpu.memory_space<vmem_shared>>
        tpu.wait_indirect_dma semaphore(%run_scoped3A : memref<!tpu.dma_semaphore, #tpu.memory_space<semaphore_mem>>) src(%arg10 : memref<128x128xf32, #tpu.memory_space<vmem>>) dst(%dma_wait3A_44 : memref<10240x128xf32, #tpu.memory_space<vmem_shared>>)
        tpu.yield
      }) : () -> ()
    }
    %scan3A_22 = arith.constant 79 : i32
    %barrier3A_23 = arith.constant 0 : index
    tpu.barrier barrier_id(%barrier3A_23)
    "tpu.region"() ({
      %run_scoped3A = tpu.sem_alloc : memref<!tpu.dma_semaphore, #tpu.memory_space<semaphore_mem>>
      %dma_start3A = arith.constant 0 : i32
      %dma_start3A_24 = tpu.memref_slice %arg6[%arg0, %mul3A_7, %dma_start3A] : memref<2x10240x128xf32, #tpu.memory_space<hbm>> -> memref<1x640x128xf32, #tpu.memory_space<hbm>>
      %dma_start3A_25 = tpu.memref_squeeze %dma_start3A_24 : memref<1x640x128xf32, #tpu.memory_space<hbm>> -> memref<640x128xf32, #tpu.memory_space<hbm>>
      %dma_start3A_26 = arith.constant 0 : i32
      %dma_start3A_27 = tpu.memref_slice %arg11[%mul3A_7, %dma_start3A_26] : memref<10240x128xf32, #tpu.memory_space<vmem_shared>> -> memref<640x128xf32, #tpu.memory_space<vmem_shared>>
      tpu.enqueue_dma source(%dma_start3A_27 : memref<640x128xf32, #tpu.memory_space<vmem_shared>>) target(%dma_start3A_25 : memref<640x128xf32, #tpu.memory_space<hbm>>) target_semaphore(%run_scoped3A : memref<!tpu.dma_semaphore, #tpu.memory_space<semaphore_mem>>)
      %dma_wait3A = arith.constant 0 : i32
      %dma_wait3A_28 = tpu.memref_slice %arg6[%arg0, %mul3A_7, %dma_wait3A] : memref<2x10240x128xf32, #tpu.memory_space<hbm>> -> memref<1x640x128xf32, #tpu.memory_space<hbm>>
      %dma_wait3A_29 = tpu.memref_squeeze %dma_wait3A_28 : memref<1x640x128xf32, #tpu.memory_space<hbm>> -> memref<640x128xf32, #tpu.memory_space<hbm>>
      %dma_wait3A_30 = arith.constant 0 : i32
      %dma_wait3A_31 = tpu.memref_slice %arg11[%mul3A_7, %dma_wait3A_30] : memref<10240x128xf32, #tpu.memory_space<vmem_shared>> -> memref<640x128xf32, #tpu.memory_space<vmem_shared>>
      tpu.wait_dma2 semaphore(%run_scoped3A : memref<!tpu.dma_semaphore, #tpu.memory_space<semaphore_mem>>) src(%dma_wait3A_31 : memref<640x128xf32, #tpu.memory_space<vmem_shared>>) dst(%dma_wait3A_29 : memref<640x128xf32, #tpu.memory_space<hbm>>)
      tpu.yield
    }) : () -> ()
    return
  }
}

module attributes {stable_mosaic.version = 14 : i64} {
  func.func @body(%arg0: i32, %arg1: memref<2x1000x128xf32, #tpu.memory_space<vmem>>, %arg2: memref<128x128xf32, #tpu.memory_space<vmem>>, %arg3: memref<1000x128xf32, #tpu.memory_space<vmem>>) attributes {dimension_semantics = [#tpu.dimension_semantics<arbitrary>], iteration_bounds = array<i64: 10>, scalar_prefetch = 0 : i64, scratch_operands = 0 : i64, tpu.core_type = #tpu.core_type<tc>, window_params = [{transform_indices = @transform_0, window_bounds = array<i64: 2, 1000, 128>}, {pipeline_mode = #tpu.pipeline_mode<synchronous>, transform_indices = @transform_1, window_bounds = array<i64: 128, 128>}, {transform_indices = @transform_2, window_bounds = array<i64: 1000, 128>}]} {
    %get3A = arith.constant 0 : index
    %get3A_0 = arith.constant 0 : index
    %get3A_1 = arith.constant 0 : index
    %get3A_2 = vector.load %arg1[%get3A, %get3A_0, %get3A_1] : memref<2x1000x128xf32, #tpu.memory_space<vmem>>, vector<1x1000x128xf32>
    %get3A_3 = vector.shape_cast %get3A_2 : vector<1x1000x128xf32> to vector<1000x128xf32>
    %get3A_4 = arith.constant 1 : index
    %get3A_5 = arith.constant 0 : index
    %get3A_6 = arith.constant 0 : index
    %get3A_7 = vector.load %arg1[%get3A_4, %get3A_5, %get3A_6] : memref<2x1000x128xf32, #tpu.memory_space<vmem>>, vector<1x1000x128xf32>
    %get3A_8 = vector.shape_cast %get3A_7 : vector<1x1000x128xf32> to vector<1000x128xf32>
    %add3A = arith.addf %get3A_3, %get3A_8 : vector<1000x128xf32>
    %get3A_9 = arith.constant 0 : index
    %get3A_10 = arith.constant 0 : index
    %get3A_11 = vector.load %arg2[%get3A_9, %get3A_10] : memref<128x128xf32, #tpu.memory_space<vmem>>, vector<128x128xf32>
    %dot_general3A = arith.constant dense<0.000000e+00> : vector<1000x128xf32>
    %dot_general3A_12 = tpu.matmul %add3A, %get3A_11, %dot_general3A {dimension_numbers = #tpu.dot_dimension_numbers<[1], [0], [0], [1], [0, 0, 1, 1], [], []>, transpose_lhs_hint = false} : vector<1000x128xf32>, vector<128x128xf32>, vector<1000x128xf32> -> vector<1000x128xf32>
    %swap3A = arith.constant 0 : index
    %swap3A_13 = arith.constant 0 : index
    %swap3A_14 = vector.load %arg3[%swap3A, %swap3A_13] : memref<1000x128xf32, #tpu.memory_space<vmem>>, vector<1000x128xf32>
    tpu.vector_store %arg3[%swap3A, %swap3A_13], %dot_general3A_12 {strides = array<i32>} : memref<1000x128xf32, #tpu.memory_space<vmem>>, vector<1000x128xf32>,
    return
  }
  func.func @transform_0(%arg0: i32) -> (i32, i32, i32) {
    %c0_i32 = arith.constant 0 : i32
    %c0_i32_0 = arith.constant 0 : i32
    %c0_i32_1 = arith.constant 0 : i32
    return %c0_i32, %arg0, %c0_i32_0 : i32, i32, i32
  }
  func.func @transform_1(%arg0: i32) -> (i32, i32) {
    %c0_i32 = arith.constant 0 : i32
    %c0_i32_0 = arith.constant 0 : i32
    %c0_i32_1 = arith.constant 0 : i32
    return %c0_i32, %c0_i32_0 : i32, i32
  }
  func.func @transform_2(%arg0: i32) -> (i32, i32) {
    %c0_i32 = arith.constant 0 : i32
    %c0_i32_0 = arith.constant 0 : i32
    return %arg0, %c0_i32 : i32, i32
  }
}

</mosaic_0001>

<sc_bundles>
// kernel: kernel.4.cloned.1.call-start
scs
__scs_entry_jumppad:
0x0: {  	(pc) =	sbr.rel $0x88, $3  }
0x1: {  	(tag) =	ssettag $0x0;
	lr =	simm.s32 $0x1  }
0x2: {  	[smem:$0x3F9D] =	sst lr;
	_ =	strace $0xD0000000  }
0x3: {  	_ = 	snop  }
0x4: {  	_ = 	snop  }
0x5: {  	_ = 	snop  }
0x6: {  	_ = 	snop  }
0x7: {  	_ = 	snop  }
__scs_overlays_trampoline_lowered:
0x8: {  	[smem:$0x3FAC] =	sst s0  }
0x9: {  	[smem:$0x3FAD] =	sst s1  }
0xa: {  	[smem:$0x3FAE] =	sst s2  }
0xb: {  	[smem:$0x3FAF] =	sst s3  }
0xc: {  	[smem:$0x3FB0] =	sst s4  }
0xd: {  	[smem:$0x3FB1] =	sst s5  }
0xe: {  	[smem:$0x3FB2] =	sst s6  }
0xf: {  	[smem:$0x3FB3] =	sst s7  }
0x10: {  	[smem:$0x3FB4] =	sst s8  }
0x11: {  	[smem:$0x3FB5] =	sst s9;
	s0 =	simm.s32 @!p0 $0x0  }
0x12: {  	s1 =	sld [smem:$0x3F9B];
	s0 =	simm.s32 @p0 $0x1  }
0x13: {  	[smem:$0x3FB6] =	sst s0;
	s0 =	simm.s32 @!p1 $0x0  }
0x14: {  	s2 =	sld [smem:$0x3F9A];
	s0 =	simm.s32 @p1 $0x1  }
0x15: {  	[smem:$0x3FB7] =	sst s0;
	s0 =	simm.s32 @!p2 $0x0  }
0x16: {  	s3 =	sld [smem:$0x3FDB];
	s0 =	simm.s32 @p2 $0x1  }
0x17: {  	s4 =	simm.s32 $0x1BF5;
	[smem:$0x3FB9] =	sst s0  }
0x18: {  	s0 =	sld [smem:$0x3F9C];
	_ =	swait.ge [sflag:s4], $0x0  }
0x19: {  	s7 =	sld [smem:$0x3F9D]  }
0x1a: {  	s8 =	sadd.s32 $0xFFFFE003, lr  }
0x1b: {  	s9 =	sadd.s32 $0xFFFFFEF7, lr;
	s5 =	simm.s32 $0xFFFFFFFF;
	p2 =	slt.u32 s8, $0xFFFFF086  }
0x1c: {  	p1 =	slt.u32 s9, $0xF7A;
	s5 =	simm.s32 @!p2 $0x0  }
0x1d: {  	s5 =	simm.s32 @p1 $0x1;
	p0 =	seq.s32 s7, s2  }
0x1e: {  	s7 =	smul.u32 @!p0 $0xF7A, s2;
	p2 =	seq.s32 @!p0 s5, $0x0  }
0x1f: {  	s9 =	smul.u32 $0xF7A, s1;
	s8 =	simm.s32 @!p0 $0x1BF5;
	p2 =	por !p2, p0  }
0x20: {  	[sflag:s8] =	ssyncset.s32 @!p0 $0xFFFFF086;
	s6 =	sadd.s32 @!p0 s3, s7;
	s7 =	simm.s32 @!p0 $0x108  }
0x21: {  	s3 =	sadd.s32 s3, s9;
	s6 =	sadd.s32 @!p0 $0x88, s6;
	s7 =	simm.s32 @p2 $0x1082  }
0x22: {  	[simem:s7], [sflag:s8] =	dma.local @!p0 [hbm:s6], $0xF7A  }
0x23: {  	s9 =	sor.u32 $0xD0000000, s2;
	s6 =	simm.s32 $0x108;
	_ =	swait.ge @!p0 [sflag:s8], $0x0  }
0x24: {  	s3 =	sadd.s32 $0x88, s3;
	s6 =	simm.s32 @!p1 $0x1082;
	[sflag:s4] =	ssyncset.s32 $0xFFFFF086  }
0x25: {  	[simem:s6], [sflag:s4] =	dma.local [hbm:s3], $0xF7A  }
0x26: {  	[smem:$0x3F9D] =	sst s1;
	(tag) =	ssettag s2;
	_ =	strace s9  }
0x27: {  	s1 =	sld [smem:$0x3FAD]  }
0x28: {  	s2 =	sld [smem:$0x3FAE]  }
0x29: {  	s4 =	sld [smem:$0x3FB0]  }
0x2a: {  	p0 =	seq.s32 s5, $0x0;
	s5 =	sld [smem:$0x3FB1]  }
0x2b: {  	s6 =	sld [smem:$0x3FB2]  }
0x2c: {  	s7 =	sld [smem:$0x3FB3]  }
0x2d: {  	s3 =	simm.s32 $0x108;
	s8 =	sld [smem:$0x3FB4]  }
0x2e: {  	s3 =	simm.s32 @!p0 $0x1082;
	s9 =	sld [smem:$0x3FB5]  }
0x2f: {  	lr =	sadd.s32 s0, s3;
	s0 =	sld [smem:$0x3FAC]  }
0x30: {  	s3 =	sld [smem:$0x3FAF]  }
0x31: {  	[smem:$0x3FB8] =	sst s10  }
0x32: {  	s10 =	sld [smem:$0x3FB6];
	_ =	sdelay $0x3  }
0x33: {  	p0 =	seq.s32 s10, $0x1;
	s10 =	sld [smem:$0x3FB8];
	_ =	sdelay $0x3  }
0x34: {  	[smem:$0x3FB8] =	sst s10  }
0x35: {  	s10 =	sld [smem:$0x3FB7];
	_ =	sdelay $0x3  }
0x36: {  	p1 =	seq.s32 s10, $0x1;
	s10 =	sld [smem:$0x3FB8];
	_ =	sdelay $0x3  }
0x37: {  	[smem:$0x3FB8] =	sst s10  }
0x38: {  	s10 =	sld [smem:$0x3FB9]  }
0x39: {  	_ = 	snop;
	(pc) =	sbr.ind lr, $3  }
0x3a: {  	_ = 	snop  }
0x3b: {  	_ = 	snop  }
0x3c: {  	p2 =	seq.s32 s10, $0x1;
	s10 =	sld [smem:$0x3FB8]  }
0x3d: {  	_ =	shalt  }
0x3e: {  	_ =	shalt  }
0x3f: {  	_ =	shalt  }
0x40: {  	_ =	shalt  }
0x41: {  	_ =	shalt  }
0x42: {  	_ =	shalt  }
0x43: {  	_ =	shalt  }
0x44: {  	_ =	shalt  }
0x45: {  	_ =	shalt  }
0x46: {  	_ =	shalt  }
0x47: {  	_ =	shalt  }
0x48: {  	_ =	shalt  }
0x49: {  	_ =	shalt  }
0x4a: {  	_ =	shalt  }
0x4b: {  	_ =	shalt  }
0x4c: {  	_ =	shalt  }
0x4d: {  	_ =	shalt  }
0x4e: {  	_ =	shalt  }
0x4f: {  	_ =	shalt  }
0x50: {  	_ =	shalt  }
0x51: {  	_ =	shalt  }
0x52: {  	_ =	shalt  }
0x53: {  	_ =	shalt  }
0x54: {  	_ =	shalt  }
0x55: {  	_ =	shalt  }
0x56: {  	_ =	shalt  }
0x57: {  	_ =	shalt  }
0x58: {  	_ =	shalt  }
0x59: {  	_ =	shalt  }
0x5a: {  	_ =	shalt  }
0x5b: {  	_ =	shalt  }
0x5c: {  	_ =	shalt  }
0x5d: {  	_ =	shalt  }
0x5e: {  	_ =	shalt  }
0x5f: {  	_ =	shalt  }
0x60: {  	_ =	shalt  }
0x61: {  	_ =	shalt  }
0x62: {  	_ =	shalt  }
0x63: {  	_ =	shalt  }
0x64: {  	_ =	shalt  }
0x65: {  	_ =	shalt  }
0x66: {  	_ =	shalt  }
0x67: {  	_ =	shalt  }
0x68: {  	_ =	shalt  }
0x69: {  	_ =	shalt  }
0x6a: {  	_ =	shalt  }
0x6b: {  	_ =	shalt  }
0x6c: {  	_ =	shalt  }
0x6d: {  	_ =	shalt  }
0x6e: {  	_ =	shalt  }
0x6f: {  	_ =	shalt  }
0x70: {  	_ =	shalt  }
0x71: {  	_ =	shalt  }
0x72: {  	_ =	shalt  }
0x73: {  	_ =	shalt  }
0x74: {  	_ =	shalt  }
0x75: {  	_ =	shalt  }
0x76: {  	_ =	shalt  }
0x77: {  	_ =	shalt  }
0x78: {  	_ =	shalt  }
0x79: {  	_ =	shalt  }
0x7a: {  	_ =	shalt  }
0x7b: {  	_ =	shalt  }
0x7c: {  	_ =	shalt  }
0x7d: {  	_ =	shalt  }
0x7e: {  	_ =	shalt  }
0x7f: {  	_ =	shalt  }
0x80: {  	_ =	shalt  }
0x81: {  	_ =	shalt  }
0x82: {  	_ =	shalt  }
0x83: {  	_ =	shalt  }
0x84: {  	_ =	shalt  }
0x85: {  	_ =	shalt  }
0x86: {  	_ =	shalt  }
0x87: {  	_ =	shalt  }
.Lfunc_end0:
.L_simem_size_0:
called_computation_lowered:
.L_overlay_start_0:
0x88: {  	s2 =	sld [smem:$0x3FD9]  }
0x89: {  	s3 =	sld [smem:$0x3FFE];
	_ =	sdelay $0x1  }
0x8a: {  	s1 =	srdreg.scid  }
0x8b: {  	s0 =	sand.u32 $0x1, s1  }
0x8c: {  	s17 =	sshll.u32 s0, $0xA;
	s2 =	sadd.s32 s3, s2  }
0x8d: {  	s2 =	sadd.s32 s2, s17  }
0x8e: {  	[smem:$0x3FC4] =	sst s2  }
0x8f: {  	_ = 	snop  }
0x90: {  	s2 =	sld [smem:$0x3FC9]  }
0x91: {  	s18 =	sld [smem:$0x3FD0];
	(tm) =	ssettm $0x1  }
0x92: {  	s4 =	sld [smem:$0x3FFB];
	_ =	sdelay $0x3  }
0x93: {  	_ =	strace s4  }
0x94: {  	s4 =	sld [smem:$0x3FFC];
	_ =	sdelay $0x3  }
0x95: {  	_ =	strace s4  }
0x96: {  	s4 =	sld [smem:$0x3FFD];
	_ =	sdelay $0x3  }
0x97: {  	_ =	strace s4  }
0x98: {  	_ =	strace $0x8FFFFFFF  }
0x99: {  	s19 =	sld [smem:$0x3FDB];
	_ =	sdelay $0x1  }
0x9a: {  	s5 =	simm.s32 $_scs_section_size  }
0x9b: {  	s6 =	simm.s32 $_size__tile_overlayer_lowered;
	s7 =	simm.s32 $_tile_overlayer_lowered  }
0x9c: {  	s22 =	simm.s32 $0x1BFF;
	s21 =	sshll.u32 s7, $0x1;
	s4 =	sadd.s32 s5, s19  }
0x9d: {  	s8 =	simm.s32 $0x0;
	s20 =	sshll.u32 s6, $0x1;
	s6 =	sadd.s32 s21, s4  }
0x9e: {  	[timem:s8], [sflag:s22] =	dma.local [hbm:s6], s20  }
0x9f: {  	_ =	swait.ge [sflag:s22], s20  }
0xa0: {  	s5 =	ssub.s32 $0x0, s20;
	[sflag:s22] =	ssyncset.done $0x0  }
0xa1: {  	[sflag:s22] =	ssyncadd.s32 s5;
	_ =	sdelay $0x1  }
0xa2: {  	s23 =	simm.s32 $0x1B8B  }
0xa3: {  	_ =	swait.ge [sflag:s23], $0x1  }
0xa4: {  	[sflag:s23] =	ssyncset.done $0x0  }
0xa5: {  	s25 =	simm.s32 $0x1B8E;
	s24 =	sld [smem:$0x3FFE];
	[sflag:s23] =	ssyncadd.s32 $0xFFFFFFFF  }
0xa6: {  	s26 =	simm.s32 $execute0_lowered;
	[smem:$0x3FD2] =	sst s25  }
0xa7: {  	s6 =	sshll.u32 s26, $0x1;
	_ =	strace $0x80000046;
	[dreg:$0x1] =	wrdreg $0xFFFFFFFF  }
0xa8: {  	s28 =	simm.s32 $_size_execute0_lowered;
	s4 =	sadd.s32 s4, s6;
	[dreg:$0x0] =	wrdreg $0x0  }
0xa9: {  	s6 =	sshll.u32 s28, $0x1;
	[dreg:$0x2] =	wrdreg s4  }
0xaa: {  	[dreg:$0x3] =	wrdreg s6  }
0xab: {  	[dreg:$0x4] =	wrdreg $0xC0  }
0xac: {  	_ =	task [dreg:s8], $0x5FFFF  }
0xad: {  	[dreg:$0x1] =	wrdreg $0xFFFFFFFF  }
0xae: {  	[dreg:$0x0] =	wrdreg $0x60  }
0xaf: {  	[dreg:$0x2] =	wrdreg s2  }
0xb0: {  	[dreg:$0x3] =	wrdreg s18  }
0xb1: {  	[dreg:$0x4] =	wrdreg s24  }
0xb2: {  	[dreg:$0x5] =	wrdreg $0x41800  }
0xb3: {  	[dreg:$0x6] =	wrdreg $0x9  }
0xb4: {  	_ =	task.clear_ibuf [dreg:s8], $0x7FFFF;
	_ =	strace $0x90000046  }
0xb5: {  	s29 =	simm.s32 $0x9;
	_ =	strace $0x80000048  }
0xb6: {  	_ =	swait.ge [sflag:s29], $0x1  }
0xb7: {  	[sflag:s29] =	ssyncadd.s32 $0xFFFFFFFF  }
0xb8: {  	_ =	strace $0x90000048  }
0xb9: {  	_ =	sfence  }
0xba: {  	s30 =	sld [smem:$0x0];
	_ =	sdelay $0x2  }
0xbb: {  	s31 =	sshll.u32 s1, $0xD;
	s1 =	sshrl.u32 s1, $0x2  }
0xbc: {  	s3 =	sand.u32 $0x4000, s31;
	s1 =	sadd.s32 s1, s30  }
0xbd: {  	s0 =	sor.u32 s3, s0;
	s1 =	sshll.u32 s1, $0x11  }
0xbe: {  	s0 =	sor.u32 s1, s0  }
0xbf: {  	s0 =	sadd.s32 $0x8F2B, s0  }
0xc0: {  	[sflag:s0] =	ssyncadd.remote.s32 $0x1  }
0xc1: {  	_ =	sfence.sel $0xFFFF  }
0xc2: {  	[dreg:$0x0] =	wrdreg $0xFFFFFFFF;
	(pc) =	sbr.abs _section_cstart, $3  }
0xc3: {  	[dreg:$0x1] =	wrdreg $0xFFFFFFFF  }
0xc4: {  	_ =	task.clear_ibuf [dreg:s8], $0x2FFFF;
	_ =	strace $0x9FFFFFFF  }
0xc5: {  	(tm) =	ssettm $0x7FFFFFFF  }
tec
execute0_lowered:
.L_overlay_start_1:
0x0: {  	(tag) =	ssettag $0x1  }
0x1: {  	s0 =	rddreg [dreg:$0x0]  }
0x2: {  	s1 =	rddreg [dreg:$0x1]  }
0x3: {  	s8 =	rddreg [dreg:$0x2]  }
0x4: {  	s2 =	srdreg.scid;
	s4 =	rddreg [dreg:$0x3]  }
0x5: {  	s3 =	stileid.u32;
	s5 =	simm.s32 $0x0;
	s16 =	simm.s32 $0x180  }
0x6: {  	s17 =	simm.s32 $0x2;
	s18 =	simm.s32 $0x80;
	s19 =	simm.s32 $0x100  }
0x7: {  	s9 =	sand.u32 $0x1, s2;
	s2 =	rddreg [dreg:$0x4];
	s7 =	smul.u32 $0x14000, s3  }
0x8: {  	s20 =	simm.s32 $0x1;
	[smem:$0x7FF] =	sst s5;
	s11 =	smul.u32 $0x50000, s3  }
0x9: {  	s12 =	sshll.u32 s3, $0x1;
	s6 =	smul.u32 $0x140000, s9;
	s30 =	ssub.s32 $0x2, s9  }
0xa: {  	_ =	strace $0x80000047;
	s13 =	sor.u32 s9, s12;
	s31 =	sshrl.u32 s30, $0x1  }
0xb: {  	s11 =	sshrl.u32 s11, $0x2;
	s13 =	smul.u32 $0x4F, s13;
	s7 =	sadd.s32 s7, s6  }
0xc: {  	s6 =	sadd.s32 $0x200, s8;
	s15 =	ssub.s32 s30, s31;
	s10 =	sshrl.u32 s7, $0x3  }
0xd: {  	s7 =	sadd.s32 $0xA000, s8;
	s14 =	sadd.s32 s10, s8;
	s8 =	sadd.s32 s11, s4  }
0xe: {  	s15 =	smax.u32 s15, $0x1;
	s9 =	sadd.s32 $0x4000, s8;
	s10 =	sadd.s32 $0x8000, s8  }
0xf: {  	v0 =	vimm.f32 $0.0e+00;
	s11 =	sadd.s32 $0xC000, s8;
	s12 =	sadd.s32 $0x10000, s8;
	s14 =	sadd.s32 $0x13E00, s14  }
.LBB2_1:
0x10: {  	s21 =	simm.s32 $0x0;
	s22 =	simm.s32 $0x200  }
.LBB2_2:
0x11: {  	p0 =	sne.s32 s22, $0xFE00;
	[tilespmem:s21+$0x1F0] =	vst v0  }
0x12: {  	[tilespmem:s21+$0x180] =	vst v0  }
0x13: {  	[tilespmem:s21+$0x190] =	vst v0  }
.Ltmp0:
0x14: {  	[tilespmem:s21+$0x1A0] =	vst v0;
	(pc) =	sbr.rel @p0 .LBB2_2-.Ltmp0, $4  }
0x15: {  	[tilespmem:s21+$0x1B0] =	vst v0  }
0x16: {  	[tilespmem:s21+$0x1C0] =	vst v0  }
0x17: {  	[tilespmem:s21+$0x1D0] =	vst v0  }
0x18: {  	[tilespmem:s21+$0x1E0] =	vst v0;
	s21 =	sshra.s32 s22, $0x2;
	s22 =	sadd.s32 $0x200, s22  }
0x19: {  	[tilespmem:s21+$0x1F0] =	vst v0  }
0x1a: {  	[tilespmem:s21+$0x180] =	vst v0  }
0x1b: {  	[tilespmem:s21+$0x190] =	vst v0  }
0x1c: {  	[tilespmem:s21+$0x1A0] =	vst v0  }
0x1d: {  	[tilespmem:s21+$0x1B0] =	vst v0  }
0x1e: {  	[tilespmem:s21+$0x1C0] =	vst v0  }
0x1f: {  	[tilespmem:s21+$0x1D0] =	vst v0  }
0x20: {  	[tilespmem:s21+$0x1E0] =	vst v0  }
0x21: {  	[spmem:s8] =	stream.linear.scatter [tilespmem:s16], [sflag:$0x2], $0x4000, $0x38;
	[tilespmem:$0x18180] =	vst v63  }
0x22: {  	_ =	swait.ge [sflag:s17], $0x4000  }
0x23: {  	[sflag:s17] =	ssyncset.done $0x0  }
0x24: {  	[sflag:s17] =	ssyncadd.s32 $0xFFFFC000  }
0x25: {  	[spmem:s9] =	stream.linear.scatter [tilespmem:s16], [sflag:$0x2], $0x4000, $0x38;
	[tilespmem:$0x18180] =	vst v63  }
0x26: {  	_ =	swait.ge [sflag:s17], $0x4000  }
0x27: {  	[sflag:s17] =	ssyncset.done $0x0  }
0x28: {  	[sflag:s17] =	ssyncadd.s32 $0xFFFFC000  }
0x29: {  	[spmem:s10] =	stream.linear.scatter [tilespmem:s16], [sflag:$0x2], $0x4000, $0x38;
	[tilespmem:$0x18180] =	vst v63  }
0x2a: {  	_ =	swait.ge [sflag:s17], $0x4000  }
0x2b: {  	[sflag:s17] =	ssyncset.done $0x0  }
0x2c: {  	[sflag:s17] =	ssyncadd.s32 $0xFFFFC000  }
0x2d: {  	[spmem:s11] =	stream.linear.scatter [tilespmem:s16], [sflag:$0x2], $0x4000, $0x38;
	[tilespmem:$0x18180] =	vst v63  }
0x2e: {  	_ =	swait.ge [sflag:s17], $0x4000  }
0x2f: {  	[sflag:s17] =	ssyncset.done $0x0  }
0x30: {  	[sflag:s17] =	ssyncadd.s32 $0xFFFFC000  }
0x31: {  	[spmem:s12] =	stream.linear.scatter [tilespmem:s16], [sflag:$0x2], $0x4000, $0x38;
	[tilespmem:$0x18180] =	vst v63  }
0x32: {  	_ =	swait.ge [sflag:s17], $0x4000  }
0x33: {  	[sflag:s17] =	ssyncset.done $0x0  }
0x34: {  	[sflag:s17] =	ssyncadd.s32 $0xFFFFC000  }
0x35: {  	s21 =	simm.s32 $0x0;
	s22 =	simm.s32 $0x0;
	[bflag:$0x0] =	sbarrier.arrive $0xFFFF  }
.LBB2_4:
0x36: {  	s23 =	sadd.s32 s13, s22  }
0x37: {  	s23 =	sshll.u32 s23, $0x4  }
0x38: {  	s24 =	sadd.s32 s6, s23  }
0x39: {  	[tilespmem:s21], [sflag:$0x2] =	stream.linear.gather [hbm4b:s24+s21], $0x80, $0x38;
	[tilespmem:$0x18180] =	vst v63  }
0x3a: {  	_ =	swait.ge [sflag:s17], $0x80  }
0x3b: {  	[sflag:s17] =	ssyncset.done $0x0  }
0x3c: {  	s31 =	sadd.s32 s1, s23;
	[sflag:s17] =	ssyncadd.s32 $0xFFFFFF80  }
0x3d: {  	[tilespmem:s18], [sflag:$0x2] =	stream.linear.gather [hbm4b:s31+s21], $0x80, $0x38;
	[tilespmem:$0x18180] =	vst v63  }
0x3e: {  	_ =	swait.ge [sflag:s17], $0x80  }
0x3f: {  	[sflag:s17] =	ssyncset.done $0x0  }
0x40: {  	s23 =	sadd.s32 s7, s23;
	[sflag:s17] =	ssyncadd.s32 $0xFFFFFF80  }
0x41: {  	[tilespmem:s19], [sflag:$0x2] =	stream.linear.gather [hbm4b:s23+s21], $0x80, $0x38;
	[tilespmem:$0x18180] =	vst v63  }
0x42: {  	_ =	swait.ge [sflag:s17], $0x80  }
0x43: {  	[sflag:s17] =	ssyncset.done $0x0  }
0x44: {  	[sflag:s17] =	ssyncadd.s32 $0xFFFFFF80  }
0x45: {  	[tilespmem:s16], [sflag:$0x1] =	stream.indirect.gather [hbm4b:s0+s18], $0x80, s21, s18, $0xb8;
	[tilespmem:$0x18180] =	vst v63  }
0x46: {  	_ =	swait.ge [sflag:s20], $0x4000  }
0x47: {  	[sflag:s20] =	ssyncset.done $0x0  }
0x48: {  	s24 =	simm.s32 $0x0;
	s23 =	simm.s32 $0x1C0;
	[sflag:s20] =	ssyncadd.s32 $0xFFFFC000  }
.LBB2_5:
0x49: {  	s25 =	sshll.u32 s24, $0x4  }
0x4a: {  	v1 =	vld [tilespmem:s25+$0x100];
	_ =	sdelay $0x1  }
0x4b: {  	v6 =	vld [tilespmem:s23+$0xFFFFFFC0]  }
0x4c: {  	v8 =	vld [tilespmem:s23+$0xFFFFFFD0];
	s31 =	simm.s32 $0x0  }
0x4d: {  	v7 =	vld [tilespmem:s23+$0xFFFFFFE0];
	v2 =	vmov s31  }
0x4e: {  	v4 =	vld [tilespmem:s23+$0x0];
	v2 =	vperm.xlane v1, v2  }
0x4f: {  	v5 =	vld [tilespmem:s23+$0x10]  }
0x50: {  	v3 =	vld [tilespmem:s23+$0x20];
	v9 =	vmul.f32 v6, v2  }
0x51: {  	s26 =	simm.s32 $0x1;
	s28 =	smov.u32 s23;
	s25 =	smov.u32 s23;
	v8 =	vmul.f32 v8, v2;
	v6 =	vld [tilespmem:s23+$0x30]  }
.LBB2_6:
0x52: {  	p0 =	sne.s32 s26, $0xF;
	[tilespmem:s25+$0xFFFFFFC0] =	vst v9;
	v7 =	vmul.f32 v7, v2;
	v9 =	vld [tilespmem:s25+$0xFFFFFFF0];
	s28 =	sadd.s32 $0x80, s28  }
0x53: {  	v10 =	vld [tilespmem:s28+$0xFFFFFFC0];
	[tilespmem:s25+$0xFFFFFFD0] =	vst v8;
	v4 =	vmul.f32 v4, v2  }
0x54: {  	v8 =	vld [tilespmem:s28+$0xFFFFFFD0];
	[tilespmem:s25+$0xFFFFFFE0] =	vst v7;
	v5 =	vmul.f32 v5, v2  }
.Ltmp1:
0x55: {  	v11 =	vmov s26;
	v7 =	vld [tilespmem:s28+$0xFFFFFFE0];
	[tilespmem:s25+$0x0] =	vst v4;
	v3 =	vmul.f32 v3, v2;
	(pc) =	sbr.rel @p0 .LBB2_6-.Ltmp1, $4  }
0x56: {  	v11 =	vperm.xlane v1, v11;
	v4 =	vld [tilespmem:s28+$0x0];
	[tilespmem:s25+$0x10] =	vst v5;
	v6 =	vmul.f32 v6, v2  }
0x57: {  	v5 =	vld [tilespmem:s28+$0x10];
	v12 =	vmul.f32 v9, v2;
	[tilespmem:s25+$0x20] =	vst v3  }
0x58: {  	v2 =	vmov v11;
	v9 =	vmul.f32 v10, v11;
	v3 =	vld [tilespmem:s28+$0x20];
	[tilespmem:s25+$0x30] =	vst v6  }
0x59: {  	s26 =	sadd.s32 $0x1, s26;
	v8 =	vmul.f32 v8, v2;
	v6 =	vld [tilespmem:s28+$0x30];
	[tilespmem:s25+$0xFFFFFFF0] =	vst v12;
	s25 =	smov.u32 s28  }
0x5a: {  	[tilespmem:s25+$0xFFFFFFC0] =	vst v9;
	v1 =	vmul.f32 v7, v2;
	v63 =	vld [tilespmem:s25+$0xFFFFFFF0]  }
0x5b: {  	s24 =	sadd.s32 $0x1, s24;
	[tilespmem:s25+$0xFFFFFFD0] =	vst v8;
	v4 =	vmul.f32 v4, v2  }
0x5c: {  	p0 =	sne.s32 s24, $0x8;
	[tilespmem:s25+$0xFFFFFFE0] =	vst v1;
	v1 =	vmul.f32 v5, v2  }
.Ltmp2:
0x5d: {  	[tilespmem:s25+$0x0] =	vst v4;
	v3 =	vmul.f32 v3, v2;
	(pc) =	sbr.rel @p0 .LBB2_5-.Ltmp2, $4  }
0x5e: {  	[tilespmem:s25+$0x10] =	vst v1;
	v1 =	vmul.f32 v6, v2  }
0x5f: {  	v2 =	vmul.f32 v63, v2;
	[tilespmem:s25+$0x20] =	vst v3  }
0x60: {  	[tilespmem:s25+$0x30] =	vst v1  }
0x61: {  	s23 =	sadd.s32 $0x800, s23;
	[tilespmem:s25+$0xFFFFFFF0] =	vst v2  }
0x62: {  	s22 =	sadd.s32 $0x1, s22  }
0x63: {  	p0 =	sne.s32 s22, $0x4F  }
.Ltmp3:
0x64: {  	_ = 	snop;
	(pc) =	sbr.rel @p0 .LBB2_4-.Ltmp3, $4  }
0x65: {  	[spmem:s4] =	stream.indirect.scatter.add.f32 [tilespmem:s16], [sflag:$0x2], $0x80, s18, s18, $0xb8;
	[tilespmem:$0x18180] =	vst v63  }
0x66: {  	_ =	swait.ge [sflag:s17], $0x4000  }
0x67: {  	[sflag:s17] =	ssyncset.done $0x0  }
0x68: {  	[sflag:s17] =	ssyncadd.s32 $0xFFFFC000  }
0x69: {  	s5 =	sadd.s32 $0x1, s5  }
0x6a: {  	s21 =	sshll.u32 s3, $0x6;
	[bflag:$0x0] =	sbarrier.arrive $0xFFFF;
	p0 =	sne.s32 s5, s15  }
.Ltmp4:
0x6b: {  	s22 =	sshrl.u32 s8, $0x3;
	s21 =	sor.u32 $0x1C02, s21;
	(pc) =	sbr.rel @p0 .LBB2_1-.Ltmp4, $4  }
0x6c: {  	[hbm:s14], [sflag:s21] =	dma.local [spmem:s22], $0x2800  }
0x6d: {  	_ =	swait.ge [sflag:s17], $0x2800  }
0x6e: {  	[sflag:s17] =	ssyncset.done $0x0  }
0x6f: {  	[sflag:s17] =	ssyncadd.s32 $0xFFFFD800  }
0x70: {  	_ =	sfence.sel $0x180000  }
0x71: {  	[bflag:$0x0] =	sbarrier.arrive $0xFFFF  }
0x72: {  	p0 =	sne.s32 s3, $0x0;
	_ =	strace $0x90000047  }
0x73: {  	s0 =	sadd.s32 @!p0 $0x100000, s2;
	[bflag:$0x2] =	sbarrier.arrive $0xFFFF  }
0x74: {  	[sflag:s0] =	ssyncadd.tile.s32 @!p0 $0x1;
	_ =	shalt  }
.Lfunc_end2:
_tile_overlayer_lowered:
.L_overlay_start_2:
0x75: {  	(tag) =	ssettag $0x2  }
0x76: {  	s0 =	rddreg [dreg:$0x0];
	s2 =	stileid.u32  }
0x77: {  	s1 =	rddreg [dreg:$0x1];
	p0 =	sne.s32 s2, $0x0  }
0x78: {  	s3 =	rddreg [dreg:$0x2];
	[bflag:$0x3] =	sbarrier.arrive $0xFFFF;
	s2 =	simm.s32 @!p0 $0x1C02  }
0x79: {  	[timem:s3], [sflag:s2] =	dma.local @!p0 [hbm:s0], s1  }
0x7a: {  	s0 =	simm.s32 @!p0 $0x2  }
0x7b: {  	_ =	swait.ge @!p0 [sflag:s0], s1  }
0x7c: {  	s1 =	ssub.s32 @!p0 $0x0, s1;
	[sflag:s0] =	ssyncset.done @!p0 $0x0  }
0x7d: {  	[sflag:s0] =	ssyncadd.s32 @!p0 s1  }
0x7e: {  	[bflag:$0x3] =	sbarrier.arrive $0xFFFF  }
0x7f: {  	_ =	shalt  }

</sc_bundles>
